<compile_context>
chip_gen: v7x
topology: tpu7x:2x2x1
jax: 0.10.2.dev20260603
libtpu: 0.0.44.dev20260713+nightly
codegen_flags: <defaults>
</compile_context>

<pallas_src>
import functools

import jax
import jax.numpy as jnp
from jax import lax
from jax.experimental import pallas as pl
from jax.experimental.pallas import tpu as pltpu
from jax.experimental.pallas import tpu_sc as plsc

_NULL_CLASS = 1000
_LANES = 16
_NW = 32
_NS = 16
_EXT_V = 1536

_CHUNK_OFFS = (0, 64, 192, 320, 448)
_CHUNK_LENS = (64, 128, 128, 128, 64)


def kernel(labels, train, force_drop_ids, table):
    del train
    (B,) = labels.shape
    V, D = table.shape
    BPW = B // _NW
    RPT = _EXT_V // _NS

    null_rep = jnp.broadcast_to(table[_NULL_CLASS], (_EXT_V - V, D))
    table_ext = jnp.concatenate([table, null_rep], axis=0)

    mesh = plsc.VectorSubcoreMesh(core_axis_name="c", subcore_axis_name="s")

    @functools.partial(
        pl.kernel,
        mesh=mesh,
        out_type=jax.ShapeDtypeStruct((B, D), jnp.float32),
        scratch_types=[
            pltpu.VMEM((BPW,), jnp.int32),
            pltpu.VMEM((BPW,), jnp.int32),
            pltpu.VMEM((BPW,), jnp.int32),
            pltpu.VMEM((BPW, D), jnp.float32),
            pltpu.VMEM_SHARED((_EXT_V, D), jnp.float32),
            pltpu.SemaphoreType.DMA,
            pltpu.SemaphoreType.DMA,
        ],
    )
    def emb(labels_hbm, drop_hbm, table_hbm, out_hbm,
            lab_v, drp_v, idx_v, rows_v, shared_v, gsem, wsem):
        sid = lax.axis_index("s")
        wid = sid * 2 + lax.axis_index("c")
        base = wid * BPW
        stage = pltpu.async_copy(
            table_hbm.at[pl.ds(sid * RPT, RPT)],
            shared_v.at[pl.ds(sid * RPT, RPT)],
            wsem,
        )
        in0 = pltpu.async_copy(labels_hbm.at[pl.ds(base, BPW)], lab_v, gsem)
        in1 = pltpu.async_copy(drop_hbm.at[pl.ds(base, BPW)], drp_v, gsem)
        in0.wait()
        in1.wait()
        lane = lax.iota(jnp.int32, _LANES)

        @plsc.parallel_loop(0, BPW // _LANES, step=1, unroll=4)
        def _idx_body(i):
            off = i * _LANES
            lab = lab_v[pl.ds(off, _LANES)]
            drp = drp_v[pl.ds(off, _LANES)]
            null_row = lane + (_NULL_CLASS + off)
            idx_v[pl.ds(off, _LANES)] = jnp.where(drp == 1, null_row, lab)

        stage.wait()
        plsc.subcore_barrier()
        gathers = [
            pltpu.async_copy(
                shared_v.at[idx_v.at[pl.ds(o, n)]],
                rows_v.at[pl.ds(o, n)],
                gsem,
            )
            for o, n in zip(_CHUNK_OFFS, _CHUNK_LENS)
        ]
        writes = []
        for g, o, n in zip(gathers, _CHUNK_OFFS, _CHUNK_LENS):
            g.wait()
            writes.append(
                pltpu.async_copy(
                    rows_v.at[pl.ds(o, n)],
                    out_hbm.at[pl.ds(base + o, n)],
                    wsem,
                )
            )
        for w in writes:
            w.wait()

    return emb(labels, force_drop_ids, table_ext)

# --- scband reference (transcript-rebuilt; emitter-appended) ---
"""Pipeline reference for scband-label-embedder-15710990368821 (READ-ONLY COPY).

The authoritative reference and input builder live on the scoring server;
editing this copy changes nothing except your own understanding.
"""

import jax, jax.numpy as jnp
import numpy as np

NUM_CLASSES = 1000
HIDDEN = 128
BATCH = 16384

def setup_inputs(seed: int = 0) -> dict:
    key = jax.random.key(seed)
    k1, k2, k3 = jax.random.split(key, 3)
    labels = jax.random.randint(k1, (BATCH,), 0, NUM_CLASSES)
    force_drop_ids = jax.random.randint(k2, (BATCH,), 0, 2)
    # Embedding table has num_classes + 1 rows (extra row is the 'null' / dropped-label embedding)
    table = jax.random.normal(k3, (NUM_CLASSES + 1, HIDDEN), dtype=jnp.float32) * 0.02
    return {"labels": labels, "train": 0, "force_drop_ids": force_drop_ids, "table": table}

def reference(labels, train, force_drop_ids, table):
    # Faithful translation of LabelEmbedder.__call__ with force_drop_ids provided
    # (deterministic path: force_drop_ids is not None, so token_drop uses it,
    #  no RNG is consumed regardless of train).
    use_dropout = 0.1 > 0
    take_branch = jnp.logical_or(
        jnp.logical_and(train != 0, use_dropout),
        force_drop_ids is not None,
    )
    drop_ids = force_drop_ids == 1
    labels = jnp.where(jnp.logical_and(take_branch, drop_ids), NUM_CLASSES, labels)
    embeddings = jnp.take(table, labels, axis=0)
    return embeddings

if __name__ == "__main__":
    import jax
    _d = setup_inputs()
    print(jax.jit(kernel)(*tuple(_d.values())))

</pallas_src>

<mosaic_0001>
#map = affine_map<(d0, d1) -> (0)>
#map1 = affine_map<(d0, d1) -> (0, 0)>
module attributes {stable_mosaic.version = 14 : i64} {
  func.func @emb(%arg0: i32, %arg1: i32, %arg2: memref<16384xi32, #tpu.memory_space<hbm>>, %arg3: memref<16384xi32, #tpu.memory_space<hbm>>, %arg4: memref<1536x128xf32, #tpu.memory_space<hbm>>, %arg5: memref<16384x128xf32, #tpu.memory_space<hbm>>, %arg6: memref<512xi32, #tpu.memory_space<vmem>>, %arg7: memref<512xi32, #tpu.memory_space<vmem>>, %arg8: memref<512xi32, #tpu.memory_space<vmem>>, %arg9: memref<512x128xf32, #tpu.memory_space<vmem>>, %arg10: memref<1536x128xf32, #tpu.memory_space<vmem_shared>>, %arg11: memref<!tpu.dma_semaphore, #tpu.memory_space<semaphore_mem>>, %arg12: memref<!tpu.dma_semaphore, #tpu.memory_space<semaphore_mem>>) attributes {dimension_semantics = [#tpu.dimension_semantics<core_parallel>, #tpu.dimension_semantics<subcore_parallel>], iteration_bounds = array<i64: 2, 16>, scalar_prefetch = 0 : i64, scratch_operands = 7 : i64, tpu.core_type = #tpu.core_type<sc_vector_subcore>, window_params = [{transform_indices = #map}, {transform_indices = #map}, {transform_indices = #map1}, {transform_indices = #map1}]} {
    %mul3A = arith.constant 2 : i32
    %mul3A_0 = arith.muli %arg1, %mul3A : i32
    %add3A = arith.addi %mul3A_0, %arg0 : i32
    %mul3A_1 = arith.constant 512 : i32
    %mul3A_2 = arith.muli %add3A, %mul3A_1 : i32
    %mul3A_3 = arith.constant 96 : i32
    %mul3A_4 = arith.muli %arg1, %mul3A_3 : i32
    %mul3A_5 = arith.constant 96 : i32
    %mul3A_6 = arith.muli %arg1, %mul3A_5 : i32
    %dma_start3A = arith.constant 0 : i32
    %dma_start3A_7 = tpu.memref_slice %arg10[%mul3A_6, %dma_start3A] : memref<1536x128xf32, #tpu.memory_space<vmem_shared>> -> memref<96x128xf32, #tpu.memory_space<vmem_shared>>
    %dma_start3A_8 = arith.constant 0 : i32
    %dma_start3A_9 = tpu.memref_slice %arg4[%mul3A_4, %dma_start3A_8] : memref<1536x128xf32, #tpu.memory_space<hbm>> -> memref<96x128xf32, #tpu.memory_space<hbm>>
    tpu.enqueue_dma source(%dma_start3A_9 : memref<96x128xf32, #tpu.memory_space<hbm>>) target(%dma_start3A_7 : memref<96x128xf32, #tpu.memory_space<vmem_shared>>) target_semaphore(%arg12 : memref<!tpu.dma_semaphore, #tpu.memory_space<semaphore_mem>>)
    %dma_start3A_10 = tpu.memref_slice %arg2[%mul3A_2] : memref<16384xi32, #tpu.memory_space<hbm>> -> memref<512xi32, #tpu.memory_space<hbm>>
    %dma_start3A_11 = tpu.memref_slice %arg2[%mul3A_2] : memref<16384xi32, #tpu.memory_space<hbm>> -> memref<512xi32, #tpu.memory_space<hbm>>
    tpu.enqueue_dma source(%dma_start3A_11 : memref<512xi32, #tpu.memory_space<hbm>>) target(%arg6 : memref<512xi32, #tpu.memory_space<vmem>>) target_semaphore(%arg11 : memref<!tpu.dma_semaphore, #tpu.memory_space<semaphore_mem>>)
    %dma_start3A_12 = tpu.memref_slice %arg3[%mul3A_2] : memref<16384xi32, #tpu.memory_space<hbm>> -> memref<512xi32, #tpu.memory_space<hbm>>
    %dma_start3A_13 = tpu.memref_slice %arg3[%mul3A_2] : memref<16384xi32, #tpu.memory_space<hbm>> -> memref<512xi32, #tpu.memory_space<hbm>>
    tpu.enqueue_dma source(%dma_start3A_13 : memref<512xi32, #tpu.memory_space<hbm>>) target(%arg7 : memref<512xi32, #tpu.memory_space<vmem>>) target_semaphore(%arg11 : memref<!tpu.dma_semaphore, #tpu.memory_space<semaphore_mem>>)
    %dma_wait3A = tpu.memref_slice %arg2[%mul3A_2] : memref<16384xi32, #tpu.memory_space<hbm>> -> memref<512xi32, #tpu.memory_space<hbm>>
    %dma_wait3A_14 = tpu.memref_slice %arg2[%mul3A_2] : memref<16384xi32, #tpu.memory_space<hbm>> -> memref<512xi32, #tpu.memory_space<hbm>>
    tpu.wait_dma2 semaphore(%arg11 : memref<!tpu.dma_semaphore, #tpu.memory_space<semaphore_mem>>) src(%dma_wait3A_14 : memref<512xi32, #tpu.memory_space<hbm>>) dst(%arg6 : memref<512xi32, #tpu.memory_space<vmem>>)
    %dma_wait3A_15 = tpu.memref_slice %arg3[%mul3A_2] : memref<16384xi32, #tpu.memory_space<hbm>> -> memref<512xi32, #tpu.memory_space<hbm>>
    %dma_wait3A_16 = tpu.memref_slice %arg3[%mul3A_2] : memref<16384xi32, #tpu.memory_space<hbm>> -> memref<512xi32, #tpu.memory_space<hbm>>
    tpu.wait_dma2 semaphore(%arg11 : memref<!tpu.dma_semaphore, #tpu.memory_space<semaphore_mem>>) src(%dma_wait3A_16 : memref<512xi32, #tpu.memory_space<hbm>>) dst(%arg7 : memref<512xi32, #tpu.memory_space<vmem>>)
    %iota3A = tpu.iota {dimensions = array<i32: 0>} : vector<16xi32>
    %parallel_loop3A = arith.constant 0 : i32
    %parallel_loop3A_17 = arith.constant 32 : i32
    %parallel_loop3A_18 = arith.constant 1 : i32
    scf.for %parallel_loop3A_213 = %parallel_loop3A to %parallel_loop3A_17 step %parallel_loop3A_18  : i32 {
      %parallel_loop3A_214 = arith.constant 16 : i32
      %parallel_loop3A_215 = arith.muli %parallel_loop3A_213, %parallel_loop3A_214 : i32
      %parallel_loop3A_216 = arith.index_cast %parallel_loop3A_215 : i32 to index
      %parallel_loop3A_217 = tpu.vector_load %arg6[%parallel_loop3A_216] {strides = array<i32>} : memref<512xi32, #tpu.memory_space<vmem>>, vector<16xi32>,
      %parallel_loop3A_218 = vector.shape_cast %parallel_loop3A_217 : vector<16xi32> to vector<16xi32>
      %parallel_loop3A_219 = arith.index_cast %parallel_loop3A_215 : i32 to index
      %parallel_loop3A_220 = tpu.vector_load %arg7[%parallel_loop3A_219] {strides = array<i32>} : memref<512xi32, #tpu.memory_space<vmem>>, vector<16xi32>,
      %parallel_loop3A_221 = vector.shape_cast %parallel_loop3A_220 : vector<16xi32> to vector<16xi32>
      %parallel_loop3A_222 = arith.constant 1000 : i32
      %parallel_loop3A_223 = arith.addi %parallel_loop3A_222, %parallel_loop3A_215 : i32
      %parallel_loop3A_224 = vector.broadcast %parallel_loop3A_223 : i32 to vector<16xi32>
      %parallel_loop3A_225 = arith.addi %iota3A, %parallel_loop3A_224 : vector<16xi32>
      %parallel_loop3A_226 = arith.constant 1 : i32
      %parallel_loop3A_227 = vector.broadcast %parallel_loop3A_226 : i32 to vector<16xi32>
      %parallel_loop3A_228 = arith.cmpi eq, %parallel_loop3A_221, %parallel_loop3A_227 : vector<16xi32>
      %parallel_loop3A_229 = arith.select %parallel_loop3A_228, %parallel_loop3A_225, %parallel_loop3A_218 : vector<16xi1>, vector<16xi32>
      %parallel_loop3A_230 = arith.index_cast %parallel_loop3A_215 : i32 to index
      %parallel_loop3A_231 = tpu.vector_load %arg8[%parallel_loop3A_230] {strides = array<i32>} : memref<512xi32, #tpu.memory_space<vmem>>, vector<16xi32>,
      %parallel_loop3A_232 = vector.shape_cast %parallel_loop3A_231 : vector<16xi32> to vector<16xi32>
      %parallel_loop3A_233 = vector.shape_cast %parallel_loop3A_229 : vector<16xi32> to vector<16xi32>
      tpu.vector_store %arg8[%parallel_loop3A_230], %parallel_loop3A_233 {strides = array<i32>} : memref<512xi32, #tpu.memory_space<vmem>>, vector<16xi32>,
    } {sc.loop_unroll_factor = 4 : i64, sc.parallel_access}
    %dma_wait3A_19 = arith.constant 0 : i32
    %dma_wait3A_20 = tpu.memref_slice %arg10[%mul3A_6, %dma_wait3A_19] : memref<1536x128xf32, #tpu.memory_space<vmem_shared>> -> memref<96x128xf32, #tpu.memory_space<vmem_shared>>
    %dma_wait3A_21 = arith.constant 0 : i32
    %dma_wait3A_22 = tpu.memref_slice %arg4[%mul3A_4, %dma_wait3A_21] : memref<1536x128xf32, #tpu.memory_space<hbm>> -> memref<96x128xf32, #tpu.memory_space<hbm>>
    tpu.wait_dma2 semaphore(%arg12 : memref<!tpu.dma_semaphore, #tpu.memory_space<semaphore_mem>>) src(%dma_wait3A_22 : memref<96x128xf32, #tpu.memory_space<hbm>>) dst(%dma_wait3A_20 : memref<96x128xf32, #tpu.memory_space<vmem_shared>>)
    %barrier3A = arith.constant 0 : index
    tpu.barrier barrier_id(%barrier3A)
    %dma_start3A_23 = arith.constant 0 : i32
    %dma_start3A_24 = arith.constant 0 : i32
    %dma_start3A_25 = tpu.memref_slice %arg9[%dma_start3A_23, %dma_start3A_24] : memref<512x128xf32, #tpu.memory_space<vmem>> -> memref<64x128xf32, #tpu.memory_space<vmem>>
    %dma_start3A_26 = arith.constant 0 : i32
    %dma_start3A_27 = tpu.memref_slice %arg8[%dma_start3A_26] : memref<512xi32, #tpu.memory_space<vmem>> -> memref<64xi32, #tpu.memory_space<vmem>>
    %dma_start3A_28 = arith.constant 0 : i32
    %dma_start3A_29 = arith.constant 0 : i32
    %dma_start3A_30 = tpu.memref_slice %arg10[%dma_start3A_28, %dma_start3A_29] : memref<1536x128xf32, #tpu.memory_space<vmem_shared>> -> memref<1536x128xf32, #tpu.memory_space<vmem_shared>>
    tpu.enqueue_indirect_dma source(%dma_start3A_30 : memref<1536x128xf32, #tpu.memory_space<vmem_shared>>) target(%dma_start3A_25 : memref<64x128xf32, #tpu.memory_space<vmem>>) offsets(%dma_start3A_27 : memref<64xi32, #tpu.memory_space<vmem>>) semaphore(%arg11 : memref<!tpu.dma_semaphore, #tpu.memory_space<semaphore_mem>>)
    %dma_start3A_31 = arith.constant 64 : i32
    %dma_start3A_32 = arith.constant 0 : i32
    %dma_start3A_33 = tpu.memref_slice %arg9[%dma_start3A_31, %dma_start3A_32] : memref<512x128xf32, #tpu.memory_space<vmem>> -> memref<128x128xf32, #tpu.memory_space<vmem>>
    %dma_start3A_34 = arith.constant 64 : i32
    %dma_start3A_35 = tpu.memref_slice %arg8[%dma_start3A_34] : memref<512xi32, #tpu.memory_space<vmem>> -> memref<128xi32, #tpu.memory_space<vmem>>
    %dma_start3A_36 = arith.constant 0 : i32
    %dma_start3A_37 = arith.constant 0 : i32
    %dma_start3A_38 = tpu.memref_slice %arg10[%dma_start3A_36, %dma_start3A_37] : memref<1536x128xf32, #tpu.memory_space<vmem_shared>> -> memref<1536x128xf32, #tpu.memory_space<vmem_shared>>
    tpu.enqueue_indirect_dma source(%dma_start3A_38 : memref<1536x128xf32, #tpu.memory_space<vmem_shared>>) target(%dma_start3A_33 : memref<128x128xf32, #tpu.memory_space<vmem>>) offsets(%dma_start3A_35 : memref<128xi32, #tpu.memory_space<vmem>>) semaphore(%arg11 : memref<!tpu.dma_semaphore, #tpu.memory_space<semaphore_mem>>)
    %dma_start3A_39 = arith.constant 192 : i32
    %dma_start3A_40 = arith.constant 0 : i32
    %dma_start3A_41 = tpu.memref_slice %arg9[%dma_start3A_39, %dma_start3A_40] : memref<512x128xf32, #tpu.memory_space<vmem>> -> memref<128x128xf32, #tpu.memory_space<vmem>>
    %dma_start3A_42 = arith.constant 192 : i32
    %dma_start3A_43 = tpu.memref_slice %arg8[%dma_start3A_42] : memref<512xi32, #tpu.memory_space<vmem>> -> memref<128xi32, #tpu.memory_space<vmem>>
    %dma_start3A_44 = arith.constant 0 : i32
    %dma_start3A_45 = arith.constant 0 : i32
    %dma_start3A_46 = tpu.memref_slice %arg10[%dma_start3A_44, %dma_start3A_45] : memref<1536x128xf32, #tpu.memory_space<vmem_shared>> -> memref<1536x128xf32, #tpu.memory_space<vmem_shared>>
    tpu.enqueue_indirect_dma source(%dma_start3A_46 : memref<1536x128xf32, #tpu.memory_space<vmem_shared>>) target(%dma_start3A_41 : memref<128x128xf32, #tpu.memory_space<vmem>>) offsets(%dma_start3A_43 : memref<128xi32, #tpu.memory_space<vmem>>) semaphore(%arg11 : memref<!tpu.dma_semaphore, #tpu.memory_space<semaphore_mem>>)
    %dma_start3A_47 = arith.constant 320 : i32
    %dma_start3A_48 = arith.constant 0 : i32
    %dma_start3A_49 = tpu.memref_slice %arg9[%dma_start3A_47, %dma_start3A_48] : memref<512x128xf32, #tpu.memory_space<vmem>> -> memref<128x128xf32, #tpu.memory_space<vmem>>
    %dma_start3A_50 = arith.constant 320 : i32
    %dma_start3A_51 = tpu.memref_slice %arg8[%dma_start3A_50] : memref<512xi32, #tpu.memory_space<vmem>> -> memref<128xi32, #tpu.memory_space<vmem>>
    %dma_start3A_52 = arith.constant 0 : i32
    %dma_start3A_53 = arith.constant 0 : i32
    %dma_start3A_54 = tpu.memref_slice %arg10[%dma_start3A_52, %dma_start3A_53] : memref<1536x128xf32, #tpu.memory_space<vmem_shared>> -> memref<1536x128xf32, #tpu.memory_space<vmem_shared>>
    tpu.enqueue_indirect_dma source(%dma_start3A_54 : memref<1536x128xf32, #tpu.memory_space<vmem_shared>>) target(%dma_start3A_49 : memref<128x128xf32, #tpu.memory_space<vmem>>) offsets(%dma_start3A_51 : memref<128xi32, #tpu.memory_space<vmem>>) semaphore(%arg11 : memref<!tpu.dma_semaphore, #tpu.memory_space<semaphore_mem>>)
    %dma_start3A_55 = arith.constant 448 : i32
    %dma_start3A_56 = arith.constant 0 : i32
    %dma_start3A_57 = tpu.memref_slice %arg9[%dma_start3A_55, %dma_start3A_56] : memref<512x128xf32, #tpu.memory_space<vmem>> -> memref<64x128xf32, #tpu.memory_space<vmem>>
    %dma_start3A_58 = arith.constant 448 : i32
    %dma_start3A_59 = tpu.memref_slice %arg8[%dma_start3A_58] : memref<512xi32, #tpu.memory_space<vmem>> -> memref<64xi32, #tpu.memory_space<vmem>>
    %dma_start3A_60 = arith.constant 0 : i32
    %dma_start3A_61 = arith.constant 0 : i32
    %dma_start3A_62 = tpu.memref_slice %arg10[%dma_start3A_60, %dma_start3A_61] : memref<1536x128xf32, #tpu.memory_space<vmem_shared>> -> memref<1536x128xf32, #tpu.memory_space<vmem_shared>>
    tpu.enqueue_indirect_dma source(%dma_start3A_62 : memref<1536x128xf32, #tpu.memory_space<vmem_shared>>) target(%dma_start3A_57 : memref<64x128xf32, #tpu.memory_space<vmem>>) offsets(%dma_start3A_59 : memref<64xi32, #tpu.memory_space<vmem>>) semaphore(%arg11 : memref<!tpu.dma_semaphore, #tpu.memory_space<semaphore_mem>>)
    %dma_wait3A_63 = arith.constant 0 : i32
    %dma_wait3A_64 = arith.constant 0 : i32
    %dma_wait3A_65 = tpu.memref_slice %arg9[%dma_wait3A_63, %dma_wait3A_64] : memref<512x128xf32, #tpu.memory_space<vmem>> -> memref<64x128xf32, #tpu.memory_space<vmem>>
    %dma_wait3A_66 = arith.constant 0 : i32
    %dma_wait3A_67 = tpu.memref_slice %arg8[%dma_wait3A_66] : memref<512xi32, #tpu.memory_space<vmem>> -> memref<64xi32, #tpu.memory_space<vmem>>
    %dma_wait3A_68 = arith.constant 0 : i32
    %dma_wait3A_69 = arith.constant 0 : i32
    %dma_wait3A_70 = tpu.memref_slice %arg10[%dma_wait3A_68, %dma_wait3A_69] : memref<1536x128xf32, #tpu.memory_space<vmem_shared>> -> memref<1536x128xf32, #tpu.memory_space<vmem_shared>>
    tpu.wait_indirect_dma semaphore(%arg11 : memref<!tpu.dma_semaphore, #tpu.memory_space<semaphore_mem>>) src(%dma_wait3A_70 : memref<1536x128xf32, #tpu.memory_space<vmem_shared>>) dst(%dma_wait3A_65 : memref<64x128xf32, #tpu.memory_space<vmem>>)
    %add3A_71 = arith.constant 0 : i32
    %add3A_72 = arith.addi %mul3A_2, %add3A_71 : i32
    %dma_start3A_73 = arith.constant 0 : i32
    %dma_start3A_74 = arith.constant 0 : i32
    %dma_start3A_75 = tpu.memref_slice %arg9[%dma_start3A_73, %dma_start3A_74] : memref<512x128xf32, #tpu.memory_space<vmem>> -> memref<64x128xf32, #tpu.memory_space<vmem>>
    %dma_start3A_76 = arith.constant 0 : i32
    %dma_start3A_77 = tpu.memref_slice %arg5[%add3A_72, %dma_start3A_76] : memref<16384x128xf32, #tpu.memory_space<hbm>> -> memref<64x128xf32, #tpu.memory_space<hbm>>
    %dma_start3A_78 = arith.constant 0 : i32
    %dma_start3A_79 = tpu.memref_slice %arg5[%add3A_72, %dma_start3A_78] : memref<16384x128xf32, #tpu.memory_space<hbm>> -> memref<64x128xf32, #tpu.memory_space<hbm>>
    %dma_start3A_80 = arith.constant 0 : i32
    %dma_start3A_81 = arith.constant 0 : i32
    %dma_start3A_82 = tpu.memref_slice %arg9[%dma_start3A_80, %dma_start3A_81] : memref<512x128xf32, #tpu.memory_space<vmem>> -> memref<64x128xf32, #tpu.memory_space<vmem>>
    tpu.enqueue_dma source(%dma_start3A_82 : memref<64x128xf32, #tpu.memory_space<vmem>>) target(%dma_start3A_79 : memref<64x128xf32, #tpu.memory_space<hbm>>) target_semaphore(%arg12 : memref<!tpu.dma_semaphore, #tpu.memory_space<semaphore_mem>>)
    %dma_wait3A_83 = arith.constant 64 : i32
    %dma_wait3A_84 = arith.constant 0 : i32
    %dma_wait3A_85 = tpu.memref_slice %arg9[%dma_wait3A_83, %dma_wait3A_84] : memref<512x128xf32, #tpu.memory_space<vmem>> -> memref<128x128xf32, #tpu.memory_space<vmem>>
    %dma_wait3A_86 = arith.constant 64 : i32
    %dma_wait3A_87 = tpu.memref_slice %arg8[%dma_wait3A_86] : memref<512xi32, #tpu.memory_space<vmem>> -> memref<128xi32, #tpu.memory_space<vmem>>
    %dma_wait3A_88 = arith.constant 0 : i32
    %dma_wait3A_89 = arith.constant 0 : i32
    %dma_wait3A_90 = tpu.memref_slice %arg10[%dma_wait3A_88, %dma_wait3A_89] : memref<1536x128xf32, #tpu.memory_space<vmem_shared>> -> memref<1536x128xf32, #tpu.memory_space<vmem_shared>>
    tpu.wait_indirect_dma semaphore(%arg11 : memref<!tpu.dma_semaphore, #tpu.memory_space<semaphore_mem>>) src(%dma_wait3A_90 : memref<1536x128xf32, #tpu.memory_space<vmem_shared>>) dst(%dma_wait3A_85 : memref<128x128xf32, #tpu.memory_space<vmem>>)
    %add3A_91 = arith.constant 64 : i32
    %add3A_92 = arith.addi %mul3A_2, %add3A_91 : i32
    %dma_start3A_93 = arith.constant 64 : i32
    %dma_start3A_94 = arith.constant 0 : i32
    %dma_start3A_95 = tpu.memref_slice %arg9[%dma_start3A_93, %dma_start3A_94] : memref<512x128xf32, #tpu.memory_space<vmem>> -> memref<128x128xf32, #tpu.memory_space<vmem>>
    %dma_start3A_96 = arith.constant 0 : i32
    %dma_start3A_97 = tpu.memref_slice %arg5[%add3A_92, %dma_start3A_96] : memref<16384x128xf32, #tpu.memory_space<hbm>> -> memref<128x128xf32, #tpu.memory_space<hbm>>
    %dma_start3A_98 = arith.constant 0 : i32
    %dma_start3A_99 = tpu.memref_slice %arg5[%add3A_92, %dma_start3A_98] : memref<16384x128xf32, #tpu.memory_space<hbm>> -> memref<128x128xf32, #tpu.memory_space<hbm>>
    %dma_start3A_100 = arith.constant 64 : i32
    %dma_start3A_101 = arith.constant 0 : i32
    %dma_start3A_102 = tpu.memref_slice %arg9[%dma_start3A_100, %dma_start3A_101] : memref<512x128xf32, #tpu.memory_space<vmem>> -> memref<128x128xf32, #tpu.memory_space<vmem>>
    tpu.enqueue_dma source(%dma_start3A_102 : memref<128x128xf32, #tpu.memory_space<vmem>>) target(%dma_start3A_99 : memref<128x128xf32, #tpu.memory_space<hbm>>) target_semaphore(%arg12 : memref<!tpu.dma_semaphore, #tpu.memory_space<semaphore_mem>>)
    %dma_wait3A_103 = arith.constant 192 : i32
    %dma_wait3A_104 = arith.constant 0 : i32
    %dma_wait3A_105 = tpu.memref_slice %arg9[%dma_wait3A_103, %dma_wait3A_104] : memref<512x128xf32, #tpu.memory_space<vmem>> -> memref<128x128xf32, #tpu.memory_space<vmem>>
    %dma_wait3A_106 = arith.constant 192 : i32
    %dma_wait3A_107 = tpu.memref_slice %arg8[%dma_wait3A_106] : memref<512xi32, #tpu.memory_space<vmem>> -> memref<128xi32, #tpu.memory_space<vmem>>
    %dma_wait3A_108 = arith.constant 0 : i32
    %dma_wait3A_109 = arith.constant 0 : i32
    %dma_wait3A_110 = tpu.memref_slice %arg10[%dma_wait3A_108, %dma_wait3A_109] : memref<1536x128xf32, #tpu.memory_space<vmem_shared>> -> memref<1536x128xf32, #tpu.memory_space<vmem_shared>>
    tpu.wait_indirect_dma semaphore(%arg11 : memref<!tpu.dma_semaphore, #tpu.memory_space<semaphore_mem>>) src(%dma_wait3A_110 : memref<1536x128xf32, #tpu.memory_space<vmem_shared>>) dst(%dma_wait3A_105 : memref<128x128xf32, #tpu.memory_space<vmem>>)
    %add3A_111 = arith.constant 192 : i32
    %add3A_112 = arith.addi %mul3A_2, %add3A_111 : i32
    %dma_start3A_113 = arith.constant 192 : i32
    %dma_start3A_114 = arith.constant 0 : i32
    %dma_start3A_115 = tpu.memref_slice %arg9[%dma_start3A_113, %dma_start3A_114] : memref<512x128xf32, #tpu.memory_space<vmem>> -> memref<128x128xf32, #tpu.memory_space<vmem>>
    %dma_start3A_116 = arith.constant 0 : i32
    %dma_start3A_117 = tpu.memref_slice %arg5[%add3A_112, %dma_start3A_116] : memref<16384x128xf32, #tpu.memory_space<hbm>> -> memref<128x128xf32, #tpu.memory_space<hbm>>
    %dma_start3A_118 = arith.constant 0 : i32
    %dma_start3A_119 = tpu.memref_slice %arg5[%add3A_112, %dma_start3A_118] : memref<16384x128xf32, #tpu.memory_space<hbm>> -> memref<128x128xf32, #tpu.memory_space<hbm>>
    %dma_start3A_120 = arith.constant 192 : i32
    %dma_start3A_121 = arith.constant 0 : i32
    %dma_start3A_122 = tpu.memref_slice %arg9[%dma_start3A_120, %dma_start3A_121] : memref<512x128xf32, #tpu.memory_space<vmem>> -> memref<128x128xf32, #tpu.memory_space<vmem>>
    tpu.enqueue_dma source(%dma_start3A_122 : memref<128x128xf32, #tpu.memory_space<vmem>>) target(%dma_start3A_119 : memref<128x128xf32, #tpu.memory_space<hbm>>) target_semaphore(%arg12 : memref<!tpu.dma_semaphore, #tpu.memory_space<semaphore_mem>>)
    %dma_wait3A_123 = arith.constant 320 : i32
    %dma_wait3A_124 = arith.constant 0 : i32
    %dma_wait3A_125 = tpu.memref_slice %arg9[%dma_wait3A_123, %dma_wait3A_124] : memref<512x128xf32, #tpu.memory_space<vmem>> -> memref<128x128xf32, #tpu.memory_space<vmem>>
    %dma_wait3A_126 = arith.constant 320 : i32
    %dma_wait3A_127 = tpu.memref_slice %arg8[%dma_wait3A_126] : memref<512xi32, #tpu.memory_space<vmem>> -> memref<128xi32, #tpu.memory_space<vmem>>
    %dma_wait3A_128 = arith.constant 0 : i32
    %dma_wait3A_129 = arith.constant 0 : i32
    %dma_wait3A_130 = tpu.memref_slice %arg10[%dma_wait3A_128, %dma_wait3A_129] : memref<1536x128xf32, #tpu.memory_space<vmem_shared>> -> memref<1536x128xf32, #tpu.memory_space<vmem_shared>>
    tpu.wait_indirect_dma semaphore(%arg11 : memref<!tpu.dma_semaphore, #tpu.memory_space<semaphore_mem>>) src(%dma_wait3A_130 : memref<1536x128xf32, #tpu.memory_space<vmem_shared>>) dst(%dma_wait3A_125 : memref<128x128xf32, #tpu.memory_space<vmem>>)
    %add3A_131 = arith.constant 320 : i32
    %add3A_132 = arith.addi %mul3A_2, %add3A_131 : i32
    %dma_start3A_133 = arith.constant 320 : i32
    %dma_start3A_134 = arith.constant 0 : i32
    %dma_start3A_135 = tpu.memref_slice %arg9[%dma_start3A_133, %dma_start3A_134] : memref<512x128xf32, #tpu.memory_space<vmem>> -> memref<128x128xf32, #tpu.memory_space<vmem>>
    %dma_start3A_136 = arith.constant 0 : i32
    %dma_start3A_137 = tpu.memref_slice %arg5[%add3A_132, %dma_start3A_136] : memref<16384x128xf32, #tpu.memory_space<hbm>> -> memref<128x128xf32, #tpu.memory_space<hbm>>
    %dma_start3A_138 = arith.constant 0 : i32
    %dma_start3A_139 = tpu.memref_slice %arg5[%add3A_132, %dma_start3A_138] : memref<16384x128xf32, #tpu.memory_space<hbm>> -> memref<128x128xf32, #tpu.memory_space<hbm>>
    %dma_start3A_140 = arith.constant 320 : i32
    %dma_start3A_141 = arith.constant 0 : i32
    %dma_start3A_142 = tpu.memref_slice %arg9[%dma_start3A_140, %dma_start3A_141] : memref<512x128xf32, #tpu.memory_space<vmem>> -> memref<128x128xf32, #tpu.memory_space<vmem>>
    tpu.enqueue_dma source(%dma_start3A_142 : memref<128x128xf32, #tpu.memory_space<vmem>>) target(%dma_start3A_139 : memref<128x128xf32, #tpu.memory_space<hbm>>) target_semaphore(%arg12 : memref<!tpu.dma_semaphore, #tpu.memory_space<semaphore_mem>>)
    %dma_wait3A_143 = arith.constant 448 : i32
    %dma_wait3A_144 = arith.constant 0 : i32
    %dma_wait3A_145 = tpu.memref_slice %arg9[%dma_wait3A_143, %dma_wait3A_144] : memref<512x128xf32, #tpu.memory_space<vmem>> -> memref<64x128xf32, #tpu.memory_space<vmem>>
    %dma_wait3A_146 = arith.constant 448 : i32
    %dma_wait3A_147 = tpu.memref_slice %arg8[%dma_wait3A_146] : memref<512xi32, #tpu.memory_space<vmem>> -> memref<64xi32, #tpu.memory_space<vmem>>
    %dma_wait3A_148 = arith.constant 0 : i32
    %dma_wait3A_149 = arith.constant 0 : i32
    %dma_wait3A_150 = tpu.memref_slice %arg10[%dma_wait3A_148, %dma_wait3A_149] : memref<1536x128xf32, #tpu.memory_space<vmem_shared>> -> memref<1536x128xf32, #tpu.memory_space<vmem_shared>>
    tpu.wait_indirect_dma semaphore(%arg11 : memref<!tpu.dma_semaphore, #tpu.memory_space<semaphore_mem>>) src(%dma_wait3A_150 : memref<1536x128xf32, #tpu.memory_space<vmem_shared>>) dst(%dma_wait3A_145 : memref<64x128xf32, #tpu.memory_space<vmem>>)
    %add3A_151 = arith.constant 448 : i32
    %add3A_152 = arith.addi %mul3A_2, %add3A_151 : i32
    %dma_start3A_153 = arith.constant 448 : i32
    %dma_start3A_154 = arith.constant 0 : i32
    %dma_start3A_155 = tpu.memref_slice %arg9[%dma_start3A_153, %dma_start3A_154] : memref<512x128xf32, #tpu.memory_space<vmem>> -> memref<64x128xf32, #tpu.memory_space<vmem>>
    %dma_start3A_156 = arith.constant 0 : i32
    %dma_start3A_157 = tpu.memref_slice %arg5[%add3A_152, %dma_start3A_156] : memref<16384x128xf32, #tpu.memory_space<hbm>> -> memref<64x128xf32, #tpu.memory_space<hbm>>
    %dma_start3A_158 = arith.constant 0 : i32
    %dma_start3A_159 = tpu.memref_slice %arg5[%add3A_152, %dma_start3A_158] : memref<16384x128xf32, #tpu.memory_space<hbm>> -> memref<64x128xf32, #tpu.memory_space<hbm>>
    %dma_start3A_160 = arith.constant 448 : i32
    %dma_start3A_161 = arith.constant 0 : i32
    %dma_start3A_162 = tpu.memref_slice %arg9[%dma_start3A_160, %dma_start3A_161] : memref<512x128xf32, #tpu.memory_space<vmem>> -> memref<64x128xf32, #tpu.memory_space<vmem>>
    tpu.enqueue_dma source(%dma_start3A_162 : memref<64x128xf32, #tpu.memory_space<vmem>>) target(%dma_start3A_159 : memref<64x128xf32, #tpu.memory_space<hbm>>) target_semaphore(%arg12 : memref<!tpu.dma_semaphore, #tpu.memory_space<semaphore_mem>>)
    %dma_wait3A_163 = arith.constant 0 : i32
    %dma_wait3A_164 = arith.constant 0 : i32
    %dma_wait3A_165 = tpu.memref_slice %arg9[%dma_wait3A_163, %dma_wait3A_164] : memref<512x128xf32, #tpu.memory_space<vmem>> -> memref<64x128xf32, #tpu.memory_space<vmem>>
    %dma_wait3A_166 = arith.constant 0 : i32
    %dma_wait3A_167 = tpu.memref_slice %arg5[%add3A_72, %dma_wait3A_166] : memref<16384x128xf32, #tpu.memory_space<hbm>> -> memref<64x128xf32, #tpu.memory_space<hbm>>
    %dma_wait3A_168 = arith.constant 0 : i32
    %dma_wait3A_169 = tpu.memref_slice %arg5[%add3A_72, %dma_wait3A_168] : memref<16384x128xf32, #tpu.memory_space<hbm>> -> memref<64x128xf32, #tpu.memory_space<hbm>>
    %dma_wait3A_170 = arith.constant 0 : i32
    %dma_wait3A_171 = arith.constant 0 : i32
    %dma_wait3A_172 = tpu.memref_slice %arg9[%dma_wait3A_170, %dma_wait3A_171] : memref<512x128xf32, #tpu.memory_space<vmem>> -> memref<64x128xf32, #tpu.memory_space<vmem>>
    tpu.wait_dma2 semaphore(%arg12 : memref<!tpu.dma_semaphore, #tpu.memory_space<semaphore_mem>>) src(%dma_wait3A_172 : memref<64x128xf32, #tpu.memory_space<vmem>>) dst(%dma_wait3A_169 : memref<64x128xf32, #tpu.memory_space<hbm>>)
    %dma_wait3A_173 = arith.constant 64 : i32
    %dma_wait3A_174 = arith.constant 0 : i32
    %dma_wait3A_175 = tpu.memref_slice %arg9[%dma_wait3A_173, %dma_wait3A_174] : memref<512x128xf32, #tpu.memory_space<vmem>> -> memref<128x128xf32, #tpu.memory_space<vmem>>
    %dma_wait3A_176 = arith.constant 0 : i32
    %dma_wait3A_177 = tpu.memref_slice %arg5[%add3A_92, %dma_wait3A_176] : memref<16384x128xf32, #tpu.memory_space<hbm>> -> memref<128x128xf32, #tpu.memory_space<hbm>>
    %dma_wait3A_178 = arith.constant 0 : i32
    %dma_wait3A_179 = tpu.memref_slice %arg5[%add3A_92, %dma_wait3A_178] : memref<16384x128xf32, #tpu.memory_space<hbm>> -> memref<128x128xf32, #tpu.memory_space<hbm>>
    %dma_wait3A_180 = arith.constant 64 : i32
    %dma_wait3A_181 = arith.constant 0 : i32
    %dma_wait3A_182 = tpu.memref_slice %arg9[%dma_wait3A_180, %dma_wait3A_181] : memref<512x128xf32, #tpu.memory_space<vmem>> -> memref<128x128xf32, #tpu.memory_space<vmem>>
    tpu.wait_dma2 semaphore(%arg12 : memref<!tpu.dma_semaphore, #tpu.memory_space<semaphore_mem>>) src(%dma_wait3A_182 : memref<128x128xf32, #tpu.memory_space<vmem>>) dst(%dma_wait3A_179 : memref<128x128xf32, #tpu.memory_space<hbm>>)
    %dma_wait3A_183 = arith.constant 192 : i32
    %dma_wait3A_184 = arith.constant 0 : i32
    %dma_wait3A_185 = tpu.memref_slice %arg9[%dma_wait3A_183, %dma_wait3A_184] : memref<512x128xf32, #tpu.memory_space<vmem>> -> memref<128x128xf32, #tpu.memory_space<vmem>>
    %dma_wait3A_186 = arith.constant 0 : i32
    %dma_wait3A_187 = tpu.memref_slice %arg5[%add3A_112, %dma_wait3A_186] : memref<16384x128xf32, #tpu.memory_space<hbm>> -> memref<128x128xf32, #tpu.memory_space<hbm>>
    %dma_wait3A_188 = arith.constant 0 : i32
    %dma_wait3A_189 = tpu.memref_slice %arg5[%add3A_112, %dma_wait3A_188] : memref<16384x128xf32, #tpu.memory_space<hbm>> -> memref<128x128xf32, #tpu.memory_space<hbm>>
    %dma_wait3A_190 = arith.constant 192 : i32
    %dma_wait3A_191 = arith.constant 0 : i32
    %dma_wait3A_192 = tpu.memref_slice %arg9[%dma_wait3A_190, %dma_wait3A_191] : memref<512x128xf32, #tpu.memory_space<vmem>> -> memref<128x128xf32, #tpu.memory_space<vmem>>
    tpu.wait_dma2 semaphore(%arg12 : memref<!tpu.dma_semaphore, #tpu.memory_space<semaphore_mem>>) src(%dma_wait3A_192 : memref<128x128xf32, #tpu.memory_space<vmem>>) dst(%dma_wait3A_189 : memref<128x128xf32, #tpu.memory_space<hbm>>)
    %dma_wait3A_193 = arith.constant 320 : i32
    %dma_wait3A_194 = arith.constant 0 : i32
    %dma_wait3A_195 = tpu.memref_slice %arg9[%dma_wait3A_193, %dma_wait3A_194] : memref<512x128xf32, #tpu.memory_space<vmem>> -> memref<128x128xf32, #tpu.memory_space<vmem>>
    %dma_wait3A_196 = arith.constant 0 : i32
    %dma_wait3A_197 = tpu.memref_slice %arg5[%add3A_132, %dma_wait3A_196] : memref<16384x128xf32, #tpu.memory_space<hbm>> -> memref<128x128xf32, #tpu.memory_space<hbm>>
    %dma_wait3A_198 = arith.constant 0 : i32
    %dma_wait3A_199 = tpu.memref_slice %arg5[%add3A_132, %dma_wait3A_198] : memref<16384x128xf32, #tpu.memory_space<hbm>> -> memref<128x128xf32, #tpu.memory_space<hbm>>
    %dma_wait3A_200 = arith.constant 320 : i32
    %dma_wait3A_201 = arith.constant 0 : i32
    %dma_wait3A_202 = tpu.memref_slice %arg9[%dma_wait3A_200, %dma_wait3A_201] : memref<512x128xf32, #tpu.memory_space<vmem>> -> memref<128x128xf32, #tpu.memory_space<vmem>>
    tpu.wait_dma2 semaphore(%arg12 : memref<!tpu.dma_semaphore, #tpu.memory_space<semaphore_mem>>) src(%dma_wait3A_202 : memref<128x128xf32, #tpu.memory_space<vmem>>) dst(%dma_wait3A_199 : memref<128x128xf32, #tpu.memory_space<hbm>>)
    %dma_wait3A_203 = arith.constant 448 : i32
    %dma_wait3A_204 = arith.constant 0 : i32
    %dma_wait3A_205 = tpu.memref_slice %arg9[%dma_wait3A_203, %dma_wait3A_204] : memref<512x128xf32, #tpu.memory_space<vmem>> -> memref<64x128xf32, #tpu.memory_space<vmem>>
    %dma_wait3A_206 = arith.constant 0 : i32
    %dma_wait3A_207 = tpu.memref_slice %arg5[%add3A_152, %dma_wait3A_206] : memref<16384x128xf32, #tpu.memory_space<hbm>> -> memref<64x128xf32, #tpu.memory_space<hbm>>
    %dma_wait3A_208 = arith.constant 0 : i32
    %dma_wait3A_209 = tpu.memref_slice %arg5[%add3A_152, %dma_wait3A_208] : memref<16384x128xf32, #tpu.memory_space<hbm>> -> memref<64x128xf32, #tpu.memory_space<hbm>>
    %dma_wait3A_210 = arith.constant 448 : i32
    %dma_wait3A_211 = arith.constant 0 : i32
    %dma_wait3A_212 = tpu.memref_slice %arg9[%dma_wait3A_210, %dma_wait3A_211] : memref<512x128xf32, #tpu.memory_space<vmem>> -> memref<64x128xf32, #tpu.memory_space<vmem>>
    tpu.wait_dma2 semaphore(%arg12 : memref<!tpu.dma_semaphore, #tpu.memory_space<semaphore_mem>>) src(%dma_wait3A_212 : memref<64x128xf32, #tpu.memory_space<vmem>>) dst(%dma_wait3A_209 : memref<64x128xf32, #tpu.memory_space<hbm>>)
    return
  }
}

</mosaic_0001>

<sc_bundles>
// kernel: kernel.3.cloned.1.call-start
scs
__scs_entry_jumppad:
0x0: {  	(pc) =	sbr.rel $0x88, $3  }
0x1: {  	(tag) =	ssettag $0x0;
	lr =	simm.s32 $0x1  }
0x2: {  	[smem:$0x3F9E] =	sst lr;
	_ =	strace $0xD0000000  }
0x3: {  	_ = 	snop  }
0x4: {  	_ = 	snop  }
0x5: {  	_ = 	snop  }
0x6: {  	_ = 	snop  }
0x7: {  	_ = 	snop  }
__scs_overlays_trampoline_lowered:
0x8: {  	[smem:$0x3FAD] =	sst s0  }
0x9: {  	[smem:$0x3FAE] =	sst s1  }
0xa: {  	[smem:$0x3FAF] =	sst s2  }
0xb: {  	[smem:$0x3FB0] =	sst s3  }
0xc: {  	[smem:$0x3FB1] =	sst s4  }
0xd: {  	[smem:$0x3FB2] =	sst s5  }
0xe: {  	[smem:$0x3FB3] =	sst s6  }
0xf: {  	[smem:$0x3FB4] =	sst s7  }
0x10: {  	[smem:$0x3FB5] =	sst s8  }
0x11: {  	[smem:$0x3FB6] =	sst s9;
	s0 =	simm.s32 @!p0 $0x0  }
0x12: {  	s1 =	sld [smem:$0x3F9C];
	s0 =	simm.s32 @p0 $0x1  }
0x13: {  	[smem:$0x3FB7] =	sst s0;
	s0 =	simm.s32 @!p1 $0x0  }
0x14: {  	s2 =	sld [smem:$0x3F9B];
	s0 =	simm.s32 @p1 $0x1  }
0x15: {  	[smem:$0x3FB8] =	sst s0;
	s0 =	simm.s32 @!p2 $0x0  }
0x16: {  	s3 =	sld [smem:$0x3FDB];
	s0 =	simm.s32 @p2 $0x1  }
0x17: {  	s4 =	simm.s32 $0x1BF5;
	[smem:$0x3FBA] =	sst s0  }
0x18: {  	s0 =	sld [smem:$0x3F9D];
	_ =	swait.ge [sflag:s4], $0x0  }
0x19: {  	s7 =	sld [smem:$0x3F9E]  }
0x1a: {  	s8 =	sadd.s32 $0xFFFFE003, lr  }
0x1b: {  	s9 =	sadd.s32 $0xFFFFFEF7, lr;
	s5 =	simm.s32 $0xFFFFFFFF;
	p2 =	slt.u32 s8, $0xFFFFF086  }
0x1c: {  	p1 =	slt.u32 s9, $0xF7A;
	s5 =	simm.s32 @!p2 $0x0  }
0x1d: {  	s5 =	simm.s32 @p1 $0x1;
	p0 =	seq.s32 s7, s2  }
0x1e: {  	s7 =	smul.u32 @!p0 $0xF7A, s2;
	p2 =	seq.s32 @!p0 s5, $0x0  }
0x1f: {  	s9 =	smul.u32 $0xF7A, s1;
	s8 =	simm.s32 @!p0 $0x1BF5;
	p2 =	por !p2, p0  }
0x20: {  	[sflag:s8] =	ssyncset.s32 @!p0 $0xFFFFF086;
	s6 =	sadd.s32 @!p0 s3, s7;
	s7 =	simm.s32 @!p0 $0x108  }
0x21: {  	s3 =	sadd.s32 s3, s9;
	s6 =	sadd.s32 @!p0 $0x88, s6;
	s7 =	simm.s32 @p2 $0x1082  }
0x22: {  	[simem:s7], [sflag:s8] =	dma.local @!p0 [hbm:s6], $0xF7A  }
0x23: {  	s9 =	sor.u32 $0xD0000000, s2;
	s6 =	simm.s32 $0x108;
	_ =	swait.ge @!p0 [sflag:s8], $0x0  }
0x24: {  	s3 =	sadd.s32 $0x88, s3;
	s6 =	simm.s32 @!p1 $0x1082;
	[sflag:s4] =	ssyncset.s32 $0xFFFFF086  }
0x25: {  	[simem:s6], [sflag:s4] =	dma.local [hbm:s3], $0xF7A  }
0x26: {  	[smem:$0x3F9E] =	sst s1;
	(tag) =	ssettag s2;
	_ =	strace s9  }
0x27: {  	s1 =	sld [smem:$0x3FAE]  }
0x28: {  	s2 =	sld [smem:$0x3FAF]  }
0x29: {  	s4 =	sld [smem:$0x3FB1]  }
0x2a: {  	p0 =	seq.s32 s5, $0x0;
	s5 =	sld [smem:$0x3FB2]  }
0x2b: {  	s6 =	sld [smem:$0x3FB3]  }
0x2c: {  	s7 =	sld [smem:$0x3FB4]  }
0x2d: {  	s3 =	simm.s32 $0x108;
	s8 =	sld [smem:$0x3FB5]  }
0x2e: {  	s3 =	simm.s32 @!p0 $0x1082;
	s9 =	sld [smem:$0x3FB6]  }
0x2f: {  	lr =	sadd.s32 s0, s3;
	s0 =	sld [smem:$0x3FAD]  }
0x30: {  	s3 =	sld [smem:$0x3FB0]  }
0x31: {  	[smem:$0x3FB9] =	sst s10  }
0x32: {  	s10 =	sld [smem:$0x3FB7];
	_ =	sdelay $0x3  }
0x33: {  	p0 =	seq.s32 s10, $0x1;
	s10 =	sld [smem:$0x3FB9];
	_ =	sdelay $0x3  }
0x34: {  	[smem:$0x3FB9] =	sst s10  }
0x35: {  	s10 =	sld [smem:$0x3FB8];
	_ =	sdelay $0x3  }
0x36: {  	p1 =	seq.s32 s10, $0x1;
	s10 =	sld [smem:$0x3FB9];
	_ =	sdelay $0x3  }
0x37: {  	[smem:$0x3FB9] =	sst s10  }
0x38: {  	s10 =	sld [smem:$0x3FBA]  }
0x39: {  	_ = 	snop;
	(pc) =	sbr.ind lr, $3  }
0x3a: {  	_ = 	snop  }
0x3b: {  	_ = 	snop  }
0x3c: {  	p2 =	seq.s32 s10, $0x1;
	s10 =	sld [smem:$0x3FB9]  }
0x3d: {  	_ =	shalt  }
0x3e: {  	_ =	shalt  }
0x3f: {  	_ =	shalt  }
0x40: {  	_ =	shalt  }
0x41: {  	_ =	shalt  }
0x42: {  	_ =	shalt  }
0x43: {  	_ =	shalt  }
0x44: {  	_ =	shalt  }
0x45: {  	_ =	shalt  }
0x46: {  	_ =	shalt  }
0x47: {  	_ =	shalt  }
0x48: {  	_ =	shalt  }
0x49: {  	_ =	shalt  }
0x4a: {  	_ =	shalt  }
0x4b: {  	_ =	shalt  }
0x4c: {  	_ =	shalt  }
0x4d: {  	_ =	shalt  }
0x4e: {  	_ =	shalt  }
0x4f: {  	_ =	shalt  }
0x50: {  	_ =	shalt  }
0x51: {  	_ =	shalt  }
0x52: {  	_ =	shalt  }
0x53: {  	_ =	shalt  }
0x54: {  	_ =	shalt  }
0x55: {  	_ =	shalt  }
0x56: {  	_ =	shalt  }
0x57: {  	_ =	shalt  }
0x58: {  	_ =	shalt  }
0x59: {  	_ =	shalt  }
0x5a: {  	_ =	shalt  }
0x5b: {  	_ =	shalt  }
0x5c: {  	_ =	shalt  }
0x5d: {  	_ =	shalt  }
0x5e: {  	_ =	shalt  }
0x5f: {  	_ =	shalt  }
0x60: {  	_ =	shalt  }
0x61: {  	_ =	shalt  }
0x62: {  	_ =	shalt  }
0x63: {  	_ =	shalt  }
0x64: {  	_ =	shalt  }
0x65: {  	_ =	shalt  }
0x66: {  	_ =	shalt  }
0x67: {  	_ =	shalt  }
0x68: {  	_ =	shalt  }
0x69: {  	_ =	shalt  }
0x6a: {  	_ =	shalt  }
0x6b: {  	_ =	shalt  }
0x6c: {  	_ =	shalt  }
0x6d: {  	_ =	shalt  }
0x6e: {  	_ =	shalt  }
0x6f: {  	_ =	shalt  }
0x70: {  	_ =	shalt  }
0x71: {  	_ =	shalt  }
0x72: {  	_ =	shalt  }
0x73: {  	_ =	shalt  }
0x74: {  	_ =	shalt  }
0x75: {  	_ =	shalt  }
0x76: {  	_ =	shalt  }
0x77: {  	_ =	shalt  }
0x78: {  	_ =	shalt  }
0x79: {  	_ =	shalt  }
0x7a: {  	_ =	shalt  }
0x7b: {  	_ =	shalt  }
0x7c: {  	_ =	shalt  }
0x7d: {  	_ =	shalt  }
0x7e: {  	_ =	shalt  }
0x7f: {  	_ =	shalt  }
0x80: {  	_ =	shalt  }
0x81: {  	_ =	shalt  }
0x82: {  	_ =	shalt  }
0x83: {  	_ =	shalt  }
0x84: {  	_ =	shalt  }
0x85: {  	_ =	shalt  }
0x86: {  	_ =	shalt  }
0x87: {  	_ =	shalt  }
.Lfunc_end0:
.L_simem_size_0:
called_computation_lowered:
.L_overlay_start_0:
0x88: {  	s2 =	sld [smem:$0x3FD9]  }
0x89: {  	s3 =	sld [smem:$0x3FFE];
	_ =	sdelay $0x1  }
0x8a: {  	s1 =	srdreg.scid  }
0x8b: {  	s0 =	sand.u32 $0x1, s1  }
0x8c: {  	s17 =	sshll.u32 s0, $0xA;
	s2 =	sadd.s32 s3, s2  }
0x8d: {  	s2 =	sadd.s32 s2, s17  }
0x8e: {  	[smem:$0x3FC5] =	sst s2  }
0x8f: {  	_ = 	snop  }
0x90: {  	s2 =	sld [smem:$0x3FC9]  }
0x91: {  	s18 =	sld [smem:$0x3FC8]  }
0x92: {  	s4 =	sld [smem:$0x3FD0];
	(tm) =	ssettm $0x1  }
0x93: {  	s5 =	sld [smem:$0x3FFB];
	_ =	sdelay $0x3  }
0x94: {  	_ =	strace s5  }
0x95: {  	s5 =	sld [smem:$0x3FFC];
	_ =	sdelay $0x3  }
0x96: {  	_ =	strace s5  }
0x97: {  	s5 =	sld [smem:$0x3FFD];
	_ =	sdelay $0x3  }
0x98: {  	_ =	strace s5  }
0x99: {  	_ =	strace $0x8FFFFFFF  }
0x9a: {  	s19 =	sld [smem:$0x3FDB];
	_ =	sdelay $0x1  }
0x9b: {  	s6 =	simm.s32 $_scs_section_size  }
0x9c: {  	s7 =	simm.s32 $_size__tile_overlayer_lowered;
	s8 =	simm.s32 $_tile_overlayer_lowered  }
0x9d: {  	s22 =	simm.s32 $0x1BFF;
	s21 =	sshll.u32 s8, $0x1;
	s5 =	sadd.s32 s6, s19  }
0x9e: {  	s9 =	simm.s32 $0x0;
	s20 =	sshll.u32 s7, $0x1;
	s7 =	sadd.s32 s21, s5  }
0x9f: {  	[timem:s9], [sflag:s22] =	dma.local [hbm:s7], s20  }
0xa0: {  	_ =	swait.ge [sflag:s22], s20  }
0xa1: {  	s6 =	ssub.s32 $0x0, s20;
	[sflag:s22] =	ssyncset.done $0x0  }
0xa2: {  	[sflag:s22] =	ssyncadd.s32 s6;
	_ =	sdelay $0x1  }
0xa3: {  	s23 =	simm.s32 $0x1B8B  }
0xa4: {  	_ =	swait.ge [sflag:s23], $0x1  }
0xa5: {  	[sflag:s23] =	ssyncset.done $0x0  }
0xa6: {  	s25 =	simm.s32 $0x1B8E;
	s24 =	sld [smem:$0x3FFE];
	[sflag:s23] =	ssyncadd.s32 $0xFFFFFFFF  }
0xa7: {  	s26 =	simm.s32 $execute0_lowered;
	[smem:$0x3FD2] =	sst s25  }
0xa8: {  	s7 =	sshll.u32 s26, $0x1;
	_ =	strace $0x80000046;
	[dreg:$0x1] =	wrdreg $0xFFFFFFFF  }
0xa9: {  	s28 =	simm.s32 $_size_execute0_lowered;
	s5 =	sadd.s32 s5, s7;
	[dreg:$0x0] =	wrdreg $0x0  }
0xaa: {  	s7 =	sshll.u32 s28, $0x1;
	[dreg:$0x2] =	wrdreg s5  }
0xab: {  	[dreg:$0x3] =	wrdreg s7  }
0xac: {  	[dreg:$0x4] =	wrdreg $0xC0  }
0xad: {  	_ =	task [dreg:s9], $0x5FFFF  }
0xae: {  	[dreg:$0x1] =	wrdreg $0xFFFFFFFF  }
0xaf: {  	[dreg:$0x0] =	wrdreg $0x60  }
0xb0: {  	[dreg:$0x2] =	wrdreg s2  }
0xb1: {  	[dreg:$0x3] =	wrdreg s18  }
0xb2: {  	[dreg:$0x4] =	wrdreg s24  }
0xb3: {  	[dreg:$0x5] =	wrdreg s4  }
0xb4: {  	[dreg:$0x6] =	wrdreg $0x106000  }
0xb5: {  	[dreg:$0x7] =	wrdreg $0x9  }
0xb6: {  	_ =	task.clear_ibuf [dreg:s9], $0x8FFFF;
	_ =	strace $0x90000046  }
0xb7: {  	s29 =	simm.s32 $0x9;
	_ =	strace $0x80000048  }
0xb8: {  	_ =	swait.ge [sflag:s29], $0x1  }
0xb9: {  	[sflag:s29] =	ssyncadd.s32 $0xFFFFFFFF  }
0xba: {  	_ =	strace $0x90000048  }
0xbb: {  	_ =	sfence  }
0xbc: {  	s30 =	sld [smem:$0x0];
	_ =	sdelay $0x2  }
0xbd: {  	s31 =	sshll.u32 s1, $0xD;
	s1 =	sshrl.u32 s1, $0x2  }
0xbe: {  	s3 =	sand.u32 $0x4000, s31;
	s1 =	sadd.s32 s1, s30  }
0xbf: {  	s0 =	sor.u32 s3, s0;
	s1 =	sshll.u32 s1, $0x11  }
0xc0: {  	s0 =	sor.u32 s1, s0  }
0xc1: {  	s0 =	sadd.s32 $0x8F2B, s0  }
0xc2: {  	[sflag:s0] =	ssyncadd.remote.s32 $0x1  }
0xc3: {  	_ =	sfence.sel $0xFFFF  }
0xc4: {  	[dreg:$0x0] =	wrdreg $0xFFFFFFFF;
	(pc) =	sbr.abs _section_cstart, $3  }
0xc5: {  	[dreg:$0x1] =	wrdreg $0xFFFFFFFF  }
0xc6: {  	_ =	task.clear_ibuf [dreg:s9], $0x2FFFF;
	_ =	strace $0x9FFFFFFF  }
0xc7: {  	(tm) =	ssettm $0x7FFFFFFF  }
tec
execute0_lowered:
.L_overlay_start_1:
0x0: {  	(tag) =	ssettag $0x1  }
0x1: {  	s0 =	rddreg [dreg:$0x0]  }
0x2: {  	s1 =	rddreg [dreg:$0x1]  }
0x3: {  	s4 =	rddreg [dreg:$0x2]  }
0x4: {  	s6 =	rddreg [dreg:$0x3]  }
0x5: {  	s2 =	rddreg [dreg:$0x4]  }
0x6: {  	s11 =	stileid.u32;
	s5 =	srdreg.scid  }
0x7: {  	s3 =	simm.s32 $0x0;
	s16 =	simm.s32 $0x1;
	s17 =	simm.s32 $0x2  }
0x8: {  	s18 =	simm.s32 $0x40;
	s20 =	simm.s32 $0x600;
	s21 =	simm.s32 $0x80  }
0x9: {  	s28 =	simm.s32 $0xA600;
	s30 =	simm.s32 $0xE600;
	s31 =	simm.s32 $0x0  }
0xa: {  	s7 =	smul.u32 $0x600, s11;
	s5 =	sand.u32 $0x1, s5;
	[smem:$0x7FF] =	sst s3  }
0xb: {  	s9 =	smul.u32 $0xC000, s11;
	s10 =	sshll.u32 s11, $0xA;
	s25 =	sshll.u32 s11, $0x6  }
0xc: {  	s8 =	ssub.s32 $0x2, s5;
	_ =	strace $0x80000047;
	s5 =	sshll.u32 s5, $0x9  }
0xd: {  	s4 =	sadd.s32 s7, s4;
	s23 =	sshrl.u32 s8, $0x1;
	s9 =	sshrl.u32 s9, $0x2  }
0xe: {  	s24 =	sor.u32 s5, s10;
	s5 =	sor.u32 $0x1C02, s25;
	s25 =	simm.s32 $0x6600  }
0xf: {  	s13 =	ssub.s32 s8, s23;
	s14 =	sadd.s32 s9, s2;
	s4 =	sadd.s32 $0x400, s4  }
0x10: {  	s26 =	sshll.u32 s24, $0x4;
	s29 =	sshrl.u32 s24, $0x3;
	s23 =	simm.s32 $0x2600  }
0x11: {  	s6 =	sadd.s32 s6, s26;
	s7 =	sadd.s32 s0, s29;
	s8 =	sadd.s32 s1, s29  }
0x12: {  	s13 =	smax.u32 s13, $0x1;
	s14 =	sshrl.u32 s14, $0x3;
	s9 =	sadd.s32 $0x400, s6  }
0x13: {  	v0 =	vlaneseq.u32;
	s10 =	sadd.s32 $0xC00, s6;
	s11 =	sadd.s32 $0x1400, s6;
	s12 =	sadd.s32 $0x1C00, s6  }
.LBB2_1:
0x14: {  	[spmem:s14], [sflag:s5] =	dma.local [hbm:s4], $0x600  }
0x15: {  	[tilespmem:s3], [sflag:$0x1] =	stream.linear.gather [hbm4b:s7+s3], $0x200, $0x38;
	[tilespmem:$0x13600] =	vst v63  }
0x16: {  	s0 =	simm.s32 $0x200  }
0x17: {  	[tilespmem:s0], [sflag:$0x1] =	stream.linear.gather [hbm4b:s8+s3], $0x200, $0x38;
	[tilespmem:$0x13600] =	vst v63  }
0x18: {  	_ =	swait.ge [sflag:s16], $0x200  }
0x19: {  	[sflag:s16] =	ssyncset.done $0x0  }
0x1a: {  	[sflag:s16] =	ssyncadd.s32 $0xFFFFFE00  }
0x1b: {  	_ =	swait.ge [sflag:s16], $0x200  }
0x1c: {  	[sflag:s16] =	ssyncset.done $0x0  }
0x1d: {  	s1 =	simm.s32 $0x220;
	[sflag:s16] =	ssyncadd.s32 $0xFFFFFE00  }
0x1e: {  	s0 =	simm.s32 $0x20;
	v1 =	vld [tilespmem:s1+$0x10]  }
0x1f: {  	v6 =	vld [tilespmem:s0+$0x10]  }
0x20: {  	v9 =	vld [tilespmem:s1+$0xFFFFFFE0]  }
0x21: {  	v2 =	vld [tilespmem:s1+$0xFFFFFFF0]  }
0x22: {  	s29 =	simm.s32 $0x418;
	v3 =	vld [tilespmem:s1+$0x0]  }
0x23: {  	s24 =	simm.s32 $0x408;
	v7 =	vadd.s32 s29, v0;
	v4 =	vld [tilespmem:s0+$0xFFFFFFF0];
	vm0 =	veq.s32 v1, $0x1  }
0x24: {  	s15 =	simm.s32 $0x3E8;
	s22 =	simm.s32 $0x3F8;
	v8 =	vadd.s32 s24, v0;
	s1 =	simm.s32 $0x420;
	v5 =	vld [tilespmem:s0+$0x0];
	v10 =	vsel vm0, v7, v6  }
0x25: {  	s19 =	simm.s32 $0x0;
	v1 =	vadd.s32 s15, v0;
	v7 =	vadd.s32 s22, v0;
	v6 =	vld [tilespmem:s0+$0xFFFFFFE0];
	vm0 =	veq.s32 v9, $0x1;
	s22 =	simm.s32 $0x260;
	[tilespmem:s1+$0x10] =	vst v10  }
.LBB2_2:
0x26: {  	v9 =	vld [tilespmem:s22+$0x10];
	s19 =	sadd.s32 $0x4, s19;
	vm1 =	veq.s32 v2, $0x1;
	s0 =	sadd.s32 $0x40, s0  }
0x27: {  	v10 =	vld [tilespmem:s0+$0x10];
	p0 =	slt.u32 s19, $0x1C;
	vm2 =	veq.s32 v3, $0x1  }
0x28: {  	v11 =	vld [tilespmem:s22+$0xFFFFFFE0];
	v3 =	vsel vm1, v7, v4  }
.Ltmp0:
0x29: {  	s15 =	sadd.s32 $0x40, s15;
	v2 =	vld [tilespmem:s22+$0xFFFFFFF0];
	[tilespmem:s1+$0xFFFFFFF0] =	vst v3;
	v4 =	vsel vm2, v8, v5;
	(pc) =	sbr.rel @p0 .LBB2_2-.Ltmp0, $4  }
0x2a: {  	s24 =	sadd.s32 $0x10, s15;
	s26 =	sadd.s32 $0x20, s15;
	s29 =	sadd.s32 $0x30, s15;
	v3 =	vld [tilespmem:s22+$0x0];
	v5 =	vsel vm0, v1, v6;
	v1 =	vadd.s32 s15, v0;
	[tilespmem:s1+$0x0] =	vst v4  }
0x2b: {  	v7 =	vadd.s32 s24, v0;
	v6 =	vadd.s32 s29, v0;
	v4 =	vld [tilespmem:s0+$0xFFFFFFF0];
	vm0 =	veq.s32 v9, $0x1;
	[tilespmem:s1+$0xFFFFFFE0] =	vst v5  }
0x2c: {  	v8 =	vadd.s32 s26, v0;
	s1 =	sadd.s32 $0x40, s1;
	v5 =	vld [tilespmem:s0+$0x0];
	v9 =	vsel vm0, v6, v10  }
0x2d: {  	s22 =	sadd.s32 $0x40, s22;
	v6 =	vld [tilespmem:s0+$0xFFFFFFE0];
	vm0 =	veq.s32 v11, $0x1;
	[tilespmem:s1+$0x10] =	vst v9  }
0x2e: {  	_ = 	snop  }
0x2f: {  	vm1 =	veq.s32 v2, $0x1  }
0x30: {  	vm2 =	veq.s32 v3, $0x1;
	v2 =	vsel vm1, v7, v4  }
0x31: {  	[tilespmem:s1+$0xFFFFFFF0] =	vst v2;
	v2 =	vsel vm2, v8, v5  }
0x32: {  	v1 =	vsel vm0, v1, v6;
	[tilespmem:s1+$0x0] =	vst v2  }
0x33: {  	[tilespmem:s1+$0xFFFFFFE0] =	vst v1  }
0x34: {  	_ =	swait.ge [sflag:s17], $0x600  }
0x35: {  	[sflag:s17] =	ssyncset.done $0x0  }
0x36: {  	[sflag:s17] =	ssyncadd.s32 $0xFFFFFA00  }
0x37: {  	s0 =	simm.s32 $0x400;
	[bflag:$0x0] =	sbarrier.arrive $0xFFFF  }
0x38: {  	[tilespmem:s20], [sflag:$0x1] =	stream.indirect.gather [spmem:s2], $0x80, s0, s18, $0xb8;
	[tilespmem:$0x13600] =	vst v63  }
0x39: {  	s22 =	simm.s32 $0x440  }
0x3a: {  	[tilespmem:s23], [sflag:$0x1] =	stream.indirect.gather [spmem:s2], $0x80, s22, s21, $0xb8;
	[tilespmem:$0x13600] =	vst v63  }
0x3b: {  	s24 =	simm.s32 $0x4C0  }
0x3c: {  	[tilespmem:s25], [sflag:$0x1] =	stream.indirect.gather [spmem:s2], $0x80, s24, s21, $0xb8;
	[tilespmem:$0x13600] =	vst v63  }
0x3d: {  	s26 =	simm.s32 $0x540  }
0x3e: {  	[tilespmem:s28], [sflag:$0x1] =	stream.indirect.gather [spmem:s2], $0x80, s26, s21, $0xb8;
	[tilespmem:$0x13600] =	vst v63  }
0x3f: {  	s29 =	simm.s32 $0x5C0  }
0x40: {  	[tilespmem:s30], [sflag:$0x1] =	stream.indirect.gather [spmem:s2], $0x80, s29, s18, $0xb8;
	[tilespmem:$0x13600] =	vst v63  }
0x41: {  	_ =	swait.ge [sflag:s16], $0x2000  }
0x42: {  	[sflag:s16] =	ssyncset.done $0x0  }
0x43: {  	[sflag:s16] =	ssyncadd.s32 $0xFFFFE000  }
0x44: {  	[hbm4b:s6+s3] =	stream.linear.scatter [tilespmem:s20], [sflag:$0x2], $0x2000, $0x38;
	[tilespmem:$0x13600] =	vst v63  }
0x45: {  	_ =	swait.ge [sflag:s16], $0x4000  }
0x46: {  	[sflag:s16] =	ssyncset.done $0x0  }
0x47: {  	[sflag:s16] =	ssyncadd.s32 $0xFFFFC000  }
0x48: {  	[hbm4b:s9+s3] =	stream.linear.scatter [tilespmem:s23], [sflag:$0x2], $0x4000, $0x38;
	[tilespmem:$0x13600] =	vst v63  }
0x49: {  	_ =	swait.ge [sflag:s16], $0x4000  }
0x4a: {  	[sflag:s16] =	ssyncset.done $0x0  }
0x4b: {  	[sflag:s16] =	ssyncadd.s32 $0xFFFFC000  }
0x4c: {  	[hbm4b:s10+s3] =	stream.linear.scatter [tilespmem:s25], [sflag:$0x2], $0x4000, $0x38;
	[tilespmem:$0x13600] =	vst v63  }
0x4d: {  	_ =	swait.ge [sflag:s16], $0x4000  }
0x4e: {  	[sflag:s16] =	ssyncset.done $0x0  }
0x4f: {  	[sflag:s16] =	ssyncadd.s32 $0xFFFFC000  }
0x50: {  	[hbm4b:s11+s3] =	stream.linear.scatter [tilespmem:s28], [sflag:$0x2], $0x4000, $0x38;
	[tilespmem:$0x13600] =	vst v63  }
0x51: {  	_ =	swait.ge [sflag:s16], $0x2000  }
0x52: {  	[sflag:s16] =	ssyncset.done $0x0  }
0x53: {  	[sflag:s16] =	ssyncadd.s32 $0xFFFFE000  }
0x54: {  	[hbm4b:s12+s3] =	stream.linear.scatter [tilespmem:s30], [sflag:$0x2], $0x2000, $0x38;
	[tilespmem:$0x13600] =	vst v63  }
0x55: {  	_ =	swait.ge [sflag:s17], $0x2000  }
0x56: {  	[sflag:s17] =	ssyncset.done $0x0  }
0x57: {  	[sflag:s17] =	ssyncadd.s32 $0xFFFFE000  }
0x58: {  	_ =	swait.ge [sflag:s17], $0x4000  }
0x59: {  	[sflag:s17] =	ssyncset.done $0x0  }
0x5a: {  	[sflag:s17] =	ssyncadd.s32 $0xFFFFC000  }
0x5b: {  	_ =	swait.ge [sflag:s17], $0x4000  }
0x5c: {  	[sflag:s17] =	ssyncset.done $0x0  }
0x5d: {  	s31 =	sadd.s32 $0x1, s31;
	[sflag:s17] =	ssyncadd.s32 $0xFFFFC000  }
0x5e: {  	p0 =	sne.s32 s31, s13;
	_ =	swait.ge [sflag:s17], $0x4000  }
.Ltmp1:
0x5f: {  	[sflag:s17] =	ssyncset.done $0x0;
	(pc) =	sbr.rel @p0 .LBB2_1-.Ltmp1, $4  }
0x60: {  	[sflag:s17] =	ssyncadd.s32 $0xFFFFC000  }
0x61: {  	_ =	swait.ge [sflag:s17], $0x2000  }
0x62: {  	[sflag:s17] =	ssyncset.done $0x0  }
0x63: {  	[sflag:s17] =	ssyncadd.s32 $0xFFFFE000  }
0x64: {  	_ =	sfence.sel $0x180000  }
0x65: {  	[bflag:$0x0] =	sbarrier.arrive $0xFFFF  }
0x66: {  	_ =	strace $0x90000047  }
0x67: {  	s0 =	stileid.u32;
	[bflag:$0x2] =	sbarrier.arrive $0xFFFF  }
0x68: {  	p0 =	sne.s32 s0, $0x0;
	s0 =	rddreg [dreg:$0x5]  }
0x69: {  	s0 =	sadd.s32 @!p0 $0x100000, s0  }
0x6a: {  	[sflag:s0] =	ssyncadd.tile.s32 @!p0 $0x1;
	_ =	shalt  }
.Lfunc_end2:
_tile_overlayer_lowered:
.L_overlay_start_2:
0x6b: {  	(tag) =	ssettag $0x2  }
0x6c: {  	s0 =	rddreg [dreg:$0x0];
	s2 =	stileid.u32  }
0x6d: {  	s1 =	rddreg [dreg:$0x1];
	p0 =	sne.s32 s2, $0x0  }
0x6e: {  	s3 =	rddreg [dreg:$0x2];
	[bflag:$0x3] =	sbarrier.arrive $0xFFFF;
	s2 =	simm.s32 @!p0 $0x1C03  }
0x6f: {  	[timem:s3], [sflag:s2] =	dma.local @!p0 [hbm:s0], s1  }
0x70: {  	s0 =	simm.s32 @!p0 $0x3  }
0x71: {  	_ =	swait.ge @!p0 [sflag:s0], s1  }
0x72: {  	s1 =	ssub.s32 @!p0 $0x0, s1;
	[sflag:s0] =	ssyncset.done @!p0 $0x0  }
0x73: {  	[sflag:s0] =	ssyncadd.s32 @!p0 s1  }
0x74: {  	[bflag:$0x3] =	sbarrier.arrive $0xFFFF  }
0x75: {  	_ =	shalt  }

</sc_bundles>
